<compile_context>
chip_gen: v7x
topology: tpu7x:2x2x1
jax: 0.10.2.dev20260603
libtpu: 0.0.44.dev20260713+nightly
codegen_flags: <defaults>
</compile_context>

<pallas_src>
import functools

import jax
import jax.numpy as jnp
from jax import lax
from jax.experimental import pallas as pl
from jax.experimental.pallas import tpu as pltpu
from jax.experimental.pallas import tpu_sc as plsc

D_MODEL = 512
S = 64
D2 = D_MODEL // 2

B_SC = 8
WPB = S * S * D_MODEL
NC, NS = 2, 16
NW = NC * NS
PSLICE = WPB // NW
CHUNK = 32768
NCHUNK = PSLICE // CHUNK


def _build_pos_kernel(row_ref, col_ref, pos_ref):
    pos_ref[:, :, :D2] = jnp.broadcast_to(col_ref[...][None, :, :], (S, S, D2))
    pos_ref[:, :, D2:] = jnp.broadcast_to(row_ref[...][:, None, :], (S, S, D2))


def _add_pos_kernel(x_ref, row_ref, col_ref, out_ref):
    pos_col = jnp.broadcast_to(col_ref[...][None, :, :], (S, S, D2))
    pos_row = jnp.broadcast_to(row_ref[...][:, None, :], (S, S, D2))
    out_ref[0, :, :, :D2] = x_ref[0, :, :, :D2] + pos_col
    out_ref[0, :, :, D2:] = x_ref[0, :, :, D2:] + pos_row


ROWS_PER_BATCH = S * S
PROWS = ROWS_PER_BATCH // NW
CROWS = PROWS // 2


def _make_sc_add(b_tc, b_sc):
    mesh = plsc.VectorSubcoreMesh(core_axis_name="c", subcore_axis_name="s")

    @functools.partial(
        pl.kernel,
        mesh=mesh,
        out_type=jax.ShapeDtypeStruct((b_sc * ROWS_PER_BATCH, D_MODEL), jnp.float32),
        scratch_types=[
            pltpu.VMEM((PROWS, D_MODEL), jnp.float32),
            pltpu.VMEM((CROWS, D_MODEL), jnp.float32),
        ],
        compiler_params=pltpu.CompilerParams(use_tc_tiling_on_sc=True),
    )
    def sc_add(x_hbm, pos_hbm, out_hbm, pos_v, buf_v):
        wid = lax.axis_index("s") * NC + lax.axis_index("c")
        base = wid * PROWS
        pltpu.sync_copy(pos_hbm.at[pl.ds(base, PROWS)], pos_v)

        def batch_body(b, carry):
            xrow = (b_tc + b) * ROWS_PER_BATCH + base
            orow = b * ROWS_PER_BATCH + base
            for k in range(2):
                pltpu.sync_copy(
                    x_hbm.at[pl.ds(xrow + k * CROWS, CROWS)], buf_v
                )

                def add_body(t, _):
                    r = t >> 5
                    o = (t & 31) * 16
                    buf_v[r, pl.ds(o, 16)] = buf_v[r, pl.ds(o, 16)] + pos_v[
                        k * CROWS + r, pl.ds(o, 16)
                    ]
                    return 0

                lax.fori_loop(0, CROWS * (D_MODEL // 16), add_body, 0)
                pltpu.sync_copy(
                    buf_v, out_hbm.at[pl.ds(orow + k * CROWS, CROWS)]
                )
            return carry

        lax.fori_loop(0, b_sc, batch_body, 0)

    return sc_add


def kernel(x, row_embed, col_embed):
    B = x.shape[0]
    b_sc = B_SC
    b_tc = B - b_sc
    xt = jnp.transpose(x, (0, 2, 3, 1))

    pos = pl.pallas_call(
        _build_pos_kernel,
        out_shape=jax.ShapeDtypeStruct((S, S, D_MODEL), x.dtype),
    )(row_embed, col_embed)

    out_tc = pl.pallas_call(
        _add_pos_kernel,
        grid=(b_tc,),
        in_specs=[
            pl.BlockSpec((1, S, S, D_MODEL), lambda b: (b, 0, 0, 0)),
            pl.BlockSpec((S, D2), lambda b: (0, 0)),
            pl.BlockSpec((S, D2), lambda b: (0, 0)),
        ],
        out_specs=pl.BlockSpec((1, S, S, D_MODEL), lambda b: (b, 0, 0, 0)),
        out_shape=jax.ShapeDtypeStruct((b_tc, S, S, D_MODEL), x.dtype),
        compiler_params=pltpu.CompilerParams(
            dimension_semantics=("parallel",),
        ),
    )(xt, row_embed, col_embed)

    x2 = xt.reshape(B * S * S, D_MODEL)
    pos2 = pos.reshape(S * S, D_MODEL)
    out_sc = _make_sc_add(b_tc, b_sc)(x2, pos2)

    out_t = jnp.concatenate([out_tc, out_sc.reshape(b_sc, S, S, D_MODEL)], axis=0)
    return jnp.transpose(out_t, (0, 3, 1, 2))

# --- scband reference (transcript-rebuilt; emitter-appended) ---
"""Pipeline reference for scband-spatial-position-encoding-learned-9328668967345 (READ-ONLY COPY).

The authoritative reference and input builder live on the scoring server;
editing this copy changes nothing except your own understanding.
"""

import jax, jax.numpy as jnp
import numpy as np

D_MODEL = 512
SCORE_SIZE = 64
BATCH = 32

def setup_inputs(seed: int = 0) -> dict:
    key = jax.random.key(seed)
    k1, k2, k3 = jax.random.split(key, 3)
    x = jax.random.normal(k1, (BATCH, D_MODEL, SCORE_SIZE, SCORE_SIZE), dtype=jnp.float32)
    # nn.init.uniform_ defaults to U[0, 1)
    row_embed = jax.random.uniform(k2, (SCORE_SIZE, D_MODEL // 2), dtype=jnp.float32)
    col_embed = jax.random.uniform(k3, (SCORE_SIZE, D_MODEL // 2), dtype=jnp.float32)
    return {"x": x, "row_embed": row_embed, "col_embed": col_embed}

def reference(x, row_embed, col_embed):
    S = SCORE_SIZE
    d2 = D_MODEL // 2
    i = jnp.arange(S)
    j = jnp.arange(S)
    x_emb = jnp.take(col_embed, i, axis=0)  # [S, d2]
    y_emb = jnp.take(row_embed, j, axis=0)  # [S, d2]
    # x_emb.unsqueeze(0).repeat(S,1,1) -> [S, S, d2]; y_emb.unsqueeze(1).repeat(1,S,1) -> [S, S, d2]
    pos = jnp.concatenate([
        jnp.broadcast_to(x_emb[None, :, :], (S, S, d2)),
        jnp.broadcast_to(y_emb[:, None, :], (S, S, d2)),
    ], axis=-1)  # [S, S, D_MODEL]
    pos = jnp.transpose(pos, (2, 0, 1))[None, :, :, :]  # [1, D_MODEL, S, S]
    return x + pos

if __name__ == "__main__":
    import jax
    _d = setup_inputs()
    print(jax.jit(kernel)(*tuple(_d.values())))

</pallas_src>

<mosaic_0001>
#map = affine_map<(d0, d1) -> (0, 0)>
module attributes {stable_mosaic.version = 14 : i64} {
  func.func @sc_add(%arg0: i32, %arg1: i32, %arg2: memref<131072x512xf32, #tpu.memory_space<hbm>>, %arg3: memref<4096x512xf32, #tpu.memory_space<hbm>>, %arg4: memref<32768x512xf32, #tpu.memory_space<hbm>>, %arg5: memref<128x512xf32, #tpu.memory_space<vmem>>, %arg6: memref<64x512xf32, #tpu.memory_space<vmem>>) attributes {dimension_semantics = [#tpu.dimension_semantics<core_parallel>, #tpu.dimension_semantics<subcore_parallel>], iteration_bounds = array<i64: 2, 16>, scalar_prefetch = 0 : i64, scratch_operands = 2 : i64, tpu.core_type = #tpu.core_type<sc_vector_subcore>, window_params = [{transform_indices = #map}, {transform_indices = #map}, {transform_indices = #map}]} {
    %mul3A = arith.constant 2 : i32
    %mul3A_0 = arith.muli %arg1, %mul3A : i32
    %add3A = arith.addi %mul3A_0, %arg0 : i32
    %mul3A_1 = arith.constant 128 : i32
    %mul3A_2 = arith.muli %add3A, %mul3A_1 : i32
    "tpu.region"() ({
      %run_scoped3A = tpu.sem_alloc : memref<!tpu.dma_semaphore, #tpu.memory_space<semaphore_mem>>
      %dma_start3A = arith.constant 0 : i32
      %dma_start3A_8 = tpu.memref_slice %arg3[%mul3A_2, %dma_start3A] : memref<4096x512xf32, #tpu.memory_space<hbm>> -> memref<128x512xf32, #tpu.memory_space<hbm>>
      %dma_start3A_9 = arith.constant 0 : i32
      %dma_start3A_10 = tpu.memref_slice %arg3[%mul3A_2, %dma_start3A_9] : memref<4096x512xf32, #tpu.memory_space<hbm>> -> memref<128x512xf32, #tpu.memory_space<hbm>>
      tpu.enqueue_dma source(%dma_start3A_10 : memref<128x512xf32, #tpu.memory_space<hbm>>) target(%arg5 : memref<128x512xf32, #tpu.memory_space<vmem>>) target_semaphore(%run_scoped3A : memref<!tpu.dma_semaphore, #tpu.memory_space<semaphore_mem>>)
      %dma_wait3A = arith.constant 0 : i32
      %dma_wait3A_11 = tpu.memref_slice %arg3[%mul3A_2, %dma_wait3A] : memref<4096x512xf32, #tpu.memory_space<hbm>> -> memref<128x512xf32, #tpu.memory_space<hbm>>
      %dma_wait3A_12 = arith.constant 0 : i32
      %dma_wait3A_13 = tpu.memref_slice %arg3[%mul3A_2, %dma_wait3A_12] : memref<4096x512xf32, #tpu.memory_space<hbm>> -> memref<128x512xf32, #tpu.memory_space<hbm>>
      tpu.wait_dma2 semaphore(%run_scoped3A : memref<!tpu.dma_semaphore, #tpu.memory_space<semaphore_mem>>) src(%dma_wait3A_13 : memref<128x512xf32, #tpu.memory_space<hbm>>) dst(%arg5 : memref<128x512xf32, #tpu.memory_space<vmem>>)
      tpu.yield
    }) : () -> ()
    %scan3A = arith.constant 0 : i32
    %scan3A_3 = arith.constant 0 : i32
    %scan3A_4 = arith.constant 8 : i32
    %scan3A_5 = arith.addi %scan3A_3, %scan3A_4 : i32
    %scan3A_6 = arith.constant 1 : i32
    scf.for %scan3A_8 = %scan3A_3 to %scan3A_5 step %scan3A_6  : i32 {
      %add3A_9 = arith.constant 24 : i32
      %add3A_10 = arith.addi %add3A_9, %scan3A_8 : i32
      %mul3A_11 = arith.constant 4096 : i32
      %mul3A_12 = arith.muli %add3A_10, %mul3A_11 : i32
      %add3A_13 = arith.addi %mul3A_12, %mul3A_2 : i32
      %mul3A_14 = arith.constant 4096 : i32
      %mul3A_15 = arith.muli %scan3A_8, %mul3A_14 : i32
      %add3A_16 = arith.addi %mul3A_15, %mul3A_2 : i32
      %add3A_17 = arith.constant 0 : i32
      %add3A_18 = arith.addi %add3A_13, %add3A_17 : i32
      "tpu.region"() ({
        %run_scoped3A = tpu.sem_alloc : memref<!tpu.dma_semaphore, #tpu.memory_space<semaphore_mem>>
        %dma_start3A = arith.constant 0 : i32
        %dma_start3A_39 = tpu.memref_slice %arg2[%add3A_18, %dma_start3A] : memref<131072x512xf32, #tpu.memory_space<hbm>> -> memref<64x512xf32, #tpu.memory_space<hbm>>
        %dma_start3A_40 = arith.constant 0 : i32
        %dma_start3A_41 = tpu.memref_slice %arg2[%add3A_18, %dma_start3A_40] : memref<131072x512xf32, #tpu.memory_space<hbm>> -> memref<64x512xf32, #tpu.memory_space<hbm>>
        tpu.enqueue_dma source(%dma_start3A_41 : memref<64x512xf32, #tpu.memory_space<hbm>>) target(%arg6 : memref<64x512xf32, #tpu.memory_space<vmem>>) target_semaphore(%run_scoped3A : memref<!tpu.dma_semaphore, #tpu.memory_space<semaphore_mem>>)
        %dma_wait3A = arith.constant 0 : i32
        %dma_wait3A_42 = tpu.memref_slice %arg2[%add3A_18, %dma_wait3A] : memref<131072x512xf32, #tpu.memory_space<hbm>> -> memref<64x512xf32, #tpu.memory_space<hbm>>
        %dma_wait3A_43 = arith.constant 0 : i32
        %dma_wait3A_44 = tpu.memref_slice %arg2[%add3A_18, %dma_wait3A_43] : memref<131072x512xf32, #tpu.memory_space<hbm>> -> memref<64x512xf32, #tpu.memory_space<hbm>>
        tpu.wait_dma2 semaphore(%run_scoped3A : memref<!tpu.dma_semaphore, #tpu.memory_space<semaphore_mem>>) src(%dma_wait3A_44 : memref<64x512xf32, #tpu.memory_space<hbm>>) dst(%arg6 : memref<64x512xf32, #tpu.memory_space<vmem>>)
        tpu.yield
      }) : () -> ()
      %scan3A_19 = arith.constant 0 : i32
      %scan3A_20 = arith.constant 0 : i32
      %scan3A_21 = arith.constant 2048 : i32
      %scan3A_22 = arith.addi %scan3A_20, %scan3A_21 : i32
      %scan3A_23 = arith.constant 1 : i32
      %scan3A_24 = scf.for %scan3A_39 = %scan3A_20 to %scan3A_22 step %scan3A_23 iter_args(%scan3A_40 = %scan3A_19) -> (i32)  : i32 {
        %shift_right_arithmetic3A = arith.constant 5 : i32
        %shift_right_arithmetic3A_41 = arith.shrsi %scan3A_39, %shift_right_arithmetic3A : i32
        %and3A = arith.constant 31 : i32
        %and3A_42 = arith.andi %scan3A_39, %and3A : i32
        %mul3A_43 = arith.constant 16 : i32
        %mul3A_44 = arith.muli %and3A_42, %mul3A_43 : i32
        %get3A = arith.index_cast %shift_right_arithmetic3A_41 : i32 to index
        %get3A_45 = arith.index_cast %mul3A_44 : i32 to index
        %get3A_46 = tpu.vector_load %arg6[%get3A, %get3A_45] {strides = array<i32>} : memref<64x512xf32, #tpu.memory_space<vmem>>, vector<1x16xf32>,
        %get3A_47 = vector.shape_cast %get3A_46 : vector<1x16xf32> to vector<16xf32>
        %add3A_48 = arith.constant 0 : i32
        %add3A_49 = arith.addi %add3A_48, %shift_right_arithmetic3A_41 : i32
        %get3A_50 = arith.index_cast %add3A_49 : i32 to index
        %get3A_51 = arith.index_cast %mul3A_44 : i32 to index
        %get3A_52 = tpu.vector_load %arg5[%get3A_50, %get3A_51] {strides = array<i32>} : memref<128x512xf32, #tpu.memory_space<vmem>>, vector<1x16xf32>,
        %get3A_53 = vector.shape_cast %get3A_52 : vector<1x16xf32> to vector<16xf32>
        %add3A_54 = arith.addf %get3A_47, %get3A_53 : vector<16xf32>
        %swap3A = arith.index_cast %shift_right_arithmetic3A_41 : i32 to index
        %swap3A_55 = arith.index_cast %mul3A_44 : i32 to index
        %swap3A_56 = tpu.vector_load %arg6[%swap3A, %swap3A_55] {strides = array<i32>} : memref<64x512xf32, #tpu.memory_space<vmem>>, vector<1x16xf32>,
        %swap3A_57 = vector.shape_cast %swap3A_56 : vector<1x16xf32> to vector<16xf32>
        %swap3A_58 = vector.shape_cast %add3A_54 : vector<16xf32> to vector<1x16xf32>
        tpu.vector_store %arg6[%swap3A, %swap3A_55], %swap3A_58 {strides = array<i32>} : memref<64x512xf32, #tpu.memory_space<vmem>>, vector<1x16xf32>,
        %scan3A_59 = arith.constant 0 : i32
        scf.yield %scan3A_59 : i32
      }
      %scan3A_25 = arith.constant 2048 : i32
      %add3A_26 = arith.constant 0 : i32
      %add3A_27 = arith.addi %add3A_16, %add3A_26 : i32
      "tpu.region"() ({
        %run_scoped3A = tpu.sem_alloc : memref<!tpu.dma_semaphore, #tpu.memory_space<semaphore_mem>>
        %dma_start3A = arith.constant 0 : i32
        %dma_start3A_39 = tpu.memref_slice %arg4[%add3A_27, %dma_start3A] : memref<32768x512xf32, #tpu.memory_space<hbm>> -> memref<64x512xf32, #tpu.memory_space<hbm>>
        %dma_start3A_40 = arith.constant 0 : i32
        %dma_start3A_41 = tpu.memref_slice %arg4[%add3A_27, %dma_start3A_40] : memref<32768x512xf32, #tpu.memory_space<hbm>> -> memref<64x512xf32, #tpu.memory_space<hbm>>
        tpu.enqueue_dma source(%arg6 : memref<64x512xf32, #tpu.memory_space<vmem>>) target(%dma_start3A_41 : memref<64x512xf32, #tpu.memory_space<hbm>>) target_semaphore(%run_scoped3A : memref<!tpu.dma_semaphore, #tpu.memory_space<semaphore_mem>>)
        %dma_wait3A = arith.constant 0 : i32
        %dma_wait3A_42 = tpu.memref_slice %arg4[%add3A_27, %dma_wait3A] : memref<32768x512xf32, #tpu.memory_space<hbm>> -> memref<64x512xf32, #tpu.memory_space<hbm>>
        %dma_wait3A_43 = arith.constant 0 : i32
        %dma_wait3A_44 = tpu.memref_slice %arg4[%add3A_27, %dma_wait3A_43] : memref<32768x512xf32, #tpu.memory_space<hbm>> -> memref<64x512xf32, #tpu.memory_space<hbm>>
        tpu.wait_dma2 semaphore(%run_scoped3A : memref<!tpu.dma_semaphore, #tpu.memory_space<semaphore_mem>>) src(%arg6 : memref<64x512xf32, #tpu.memory_space<vmem>>) dst(%dma_wait3A_44 : memref<64x512xf32, #tpu.memory_space<hbm>>)
        tpu.yield
      }) : () -> ()
      %add3A_28 = arith.constant 64 : i32
      %add3A_29 = arith.addi %add3A_13, %add3A_28 : i32
      "tpu.region"() ({
        %run_scoped3A = tpu.sem_alloc : memref<!tpu.dma_semaphore, #tpu.memory_space<semaphore_mem>>
        %dma_start3A = arith.constant 0 : i32
        %dma_start3A_39 = tpu.memref_slice %arg2[%add3A_29, %dma_start3A] : memref<131072x512xf32, #tpu.memory_space<hbm>> -> memref<64x512xf32, #tpu.memory_space<hbm>>
        %dma_start3A_40 = arith.constant 0 : i32
        %dma_start3A_41 = tpu.memref_slice %arg2[%add3A_29, %dma_start3A_40] : memref<131072x512xf32, #tpu.memory_space<hbm>> -> memref<64x512xf32, #tpu.memory_space<hbm>>
        tpu.enqueue_dma source(%dma_start3A_41 : memref<64x512xf32, #tpu.memory_space<hbm>>) target(%arg6 : memref<64x512xf32, #tpu.memory_space<vmem>>) target_semaphore(%run_scoped3A : memref<!tpu.dma_semaphore, #tpu.memory_space<semaphore_mem>>)
        %dma_wait3A = arith.constant 0 : i32
        %dma_wait3A_42 = tpu.memref_slice %arg2[%add3A_29, %dma_wait3A] : memref<131072x512xf32, #tpu.memory_space<hbm>> -> memref<64x512xf32, #tpu.memory_space<hbm>>
        %dma_wait3A_43 = arith.constant 0 : i32
        %dma_wait3A_44 = tpu.memref_slice %arg2[%add3A_29, %dma_wait3A_43] : memref<131072x512xf32, #tpu.memory_space<hbm>> -> memref<64x512xf32, #tpu.memory_space<hbm>>
        tpu.wait_dma2 semaphore(%run_scoped3A : memref<!tpu.dma_semaphore, #tpu.memory_space<semaphore_mem>>) src(%dma_wait3A_44 : memref<64x512xf32, #tpu.memory_space<hbm>>) dst(%arg6 : memref<64x512xf32, #tpu.memory_space<vmem>>)
        tpu.yield
      }) : () -> ()
      %scan3A_30 = arith.constant 0 : i32
      %scan3A_31 = arith.constant 0 : i32
      %scan3A_32 = arith.constant 2048 : i32
      %scan3A_33 = arith.addi %scan3A_31, %scan3A_32 : i32
      %scan3A_34 = arith.constant 1 : i32
      %scan3A_35 = scf.for %scan3A_39 = %scan3A_31 to %scan3A_33 step %scan3A_34 iter_args(%scan3A_40 = %scan3A_30) -> (i32)  : i32 {
        %shift_right_arithmetic3A = arith.constant 5 : i32
        %shift_right_arithmetic3A_41 = arith.shrsi %scan3A_39, %shift_right_arithmetic3A : i32
        %and3A = arith.constant 31 : i32
        %and3A_42 = arith.andi %scan3A_39, %and3A : i32
        %mul3A_43 = arith.constant 16 : i32
        %mul3A_44 = arith.muli %and3A_42, %mul3A_43 : i32
        %get3A = arith.index_cast %shift_right_arithmetic3A_41 : i32 to index
        %get3A_45 = arith.index_cast %mul3A_44 : i32 to index
        %get3A_46 = tpu.vector_load %arg6[%get3A, %get3A_45] {strides = array<i32>} : memref<64x512xf32, #tpu.memory_space<vmem>>, vector<1x16xf32>,
        %get3A_47 = vector.shape_cast %get3A_46 : vector<1x16xf32> to vector<16xf32>
        %add3A_48 = arith.constant 64 : i32
        %add3A_49 = arith.addi %add3A_48, %shift_right_arithmetic3A_41 : i32
        %get3A_50 = arith.index_cast %add3A_49 : i32 to index
        %get3A_51 = arith.index_cast %mul3A_44 : i32 to index
        %get3A_52 = tpu.vector_load %arg5[%get3A_50, %get3A_51] {strides = array<i32>} : memref<128x512xf32, #tpu.memory_space<vmem>>, vector<1x16xf32>,
        %get3A_53 = vector.shape_cast %get3A_52 : vector<1x16xf32> to vector<16xf32>
        %add3A_54 = arith.addf %get3A_47, %get3A_53 : vector<16xf32>
        %swap3A = arith.index_cast %shift_right_arithmetic3A_41 : i32 to index
        %swap3A_55 = arith.index_cast %mul3A_44 : i32 to index
        %swap3A_56 = tpu.vector_load %arg6[%swap3A, %swap3A_55] {strides = array<i32>} : memref<64x512xf32, #tpu.memory_space<vmem>>, vector<1x16xf32>,
        %swap3A_57 = vector.shape_cast %swap3A_56 : vector<1x16xf32> to vector<16xf32>
        %swap3A_58 = vector.shape_cast %add3A_54 : vector<16xf32> to vector<1x16xf32>
        tpu.vector_store %arg6[%swap3A, %swap3A_55], %swap3A_58 {strides = array<i32>} : memref<64x512xf32, #tpu.memory_space<vmem>>, vector<1x16xf32>,
        %scan3A_59 = arith.constant 0 : i32
        scf.yield %scan3A_59 : i32
      }
      %scan3A_36 = arith.constant 2048 : i32
      %add3A_37 = arith.constant 64 : i32
      %add3A_38 = arith.addi %add3A_16, %add3A_37 : i32
      "tpu.region"() ({
        %run_scoped3A = tpu.sem_alloc : memref<!tpu.dma_semaphore, #tpu.memory_space<semaphore_mem>>
        %dma_start3A = arith.constant 0 : i32
        %dma_start3A_39 = tpu.memref_slice %arg4[%add3A_38, %dma_start3A] : memref<32768x512xf32, #tpu.memory_space<hbm>> -> memref<64x512xf32, #tpu.memory_space<hbm>>
        %dma_start3A_40 = arith.constant 0 : i32
        %dma_start3A_41 = tpu.memref_slice %arg4[%add3A_38, %dma_start3A_40] : memref<32768x512xf32, #tpu.memory_space<hbm>> -> memref<64x512xf32, #tpu.memory_space<hbm>>
        tpu.enqueue_dma source(%arg6 : memref<64x512xf32, #tpu.memory_space<vmem>>) target(%dma_start3A_41 : memref<64x512xf32, #tpu.memory_space<hbm>>) target_semaphore(%run_scoped3A : memref<!tpu.dma_semaphore, #tpu.memory_space<semaphore_mem>>)
        %dma_wait3A = arith.constant 0 : i32
        %dma_wait3A_42 = tpu.memref_slice %arg4[%add3A_38, %dma_wait3A] : memref<32768x512xf32, #tpu.memory_space<hbm>> -> memref<64x512xf32, #tpu.memory_space<hbm>>
        %dma_wait3A_43 = arith.constant 0 : i32
        %dma_wait3A_44 = tpu.memref_slice %arg4[%add3A_38, %dma_wait3A_43] : memref<32768x512xf32, #tpu.memory_space<hbm>> -> memref<64x512xf32, #tpu.memory_space<hbm>>
        tpu.wait_dma2 semaphore(%run_scoped3A : memref<!tpu.dma_semaphore, #tpu.memory_space<semaphore_mem>>) src(%arg6 : memref<64x512xf32, #tpu.memory_space<vmem>>) dst(%dma_wait3A_44 : memref<64x512xf32, #tpu.memory_space<hbm>>)
        tpu.yield
      }) : () -> ()
    }
    %scan3A_7 = arith.constant 8 : i32
    return
  }
}

module attributes {stable_mosaic.version = 14 : i64} {
  func.func @_add_pos_kernel(%arg0: i32, %arg1: memref<1x64x64x512xf32, #tpu.memory_space<vmem>>, %arg2: memref<64x256xf32, #tpu.memory_space<vmem>>, %arg3: memref<64x256xf32, #tpu.memory_space<vmem>>, %arg4: memref<1x64x64x512xf32, #tpu.memory_space<vmem>>) attributes {dimension_semantics = [#tpu.dimension_semantics<parallel>], iteration_bounds = array<i64: 24>, scalar_prefetch = 0 : i64, scratch_operands = 0 : i64, tpu.core_type = #tpu.core_type<tc>, window_params = [{transform_indices = @transform_0, window_bounds = array<i64: 1, 64, 64, 512>}, {pipeline_mode = #tpu.pipeline_mode<synchronous>, transform_indices = @transform_1, window_bounds = array<i64: 64, 256>}, {pipeline_mode = #tpu.pipeline_mode<synchronous>, transform_indices = @transform_2, window_bounds = array<i64: 64, 256>}, {transform_indices = @transform_3, window_bounds = array<i64: 1, 64, 64, 512>}]} {
    %get3A = arith.constant 0 : index
    %get3A_0 = arith.constant 0 : index
    %get3A_1 = vector.load %arg3[%get3A, %get3A_0] : memref<64x256xf32, #tpu.memory_space<vmem>>, vector<64x256xf32>
    %broadcast_in_dim3A = vector.shape_cast %get3A_1 : vector<64x256xf32> to vector<1x64x256xf32>
    %broadcast_in_dim3A_2 = vector.shape_cast %broadcast_in_dim3A : vector<1x64x256xf32> to vector<1x64x256xf32>
    %broadcast_in_dim3A_3 = vector.broadcast %broadcast_in_dim3A_2 : vector<1x64x256xf32> to vector<64x64x256xf32>
    %get3A_4 = arith.constant 0 : index
    %get3A_5 = arith.constant 0 : index
    %get3A_6 = vector.load %arg2[%get3A_4, %get3A_5] : memref<64x256xf32, #tpu.memory_space<vmem>>, vector<64x256xf32>
    %broadcast_in_dim3A_7 = vector.shape_cast %get3A_6 : vector<64x256xf32> to vector<64x1x256xf32>
    %broadcast_in_dim3A_8 = vector.shape_cast %broadcast_in_dim3A_7 : vector<64x1x256xf32> to vector<64x1x256xf32>
    %broadcast_in_dim3A_9 = vector.broadcast %broadcast_in_dim3A_8 : vector<64x1x256xf32> to vector<64x64x256xf32>
    %get3A_10 = arith.constant 0 : index
    %get3A_11 = arith.constant 0 : index
    %get3A_12 = arith.constant 0 : index
    %get3A_13 = arith.constant 0 : index
    %get3A_14 = vector.load %arg1[%get3A_10, %get3A_11, %get3A_12, %get3A_13] : memref<1x64x64x512xf32, #tpu.memory_space<vmem>>, vector<1x64x64x256xf32>
    %get3A_15 = vector.shape_cast %get3A_14 : vector<1x64x64x256xf32> to vector<64x64x256xf32>
    %add3A = arith.addf %get3A_15, %broadcast_in_dim3A_3 : vector<64x64x256xf32>
    %swap3A = arith.constant 0 : index
    %swap3A_16 = arith.constant 0 : index
    %swap3A_17 = arith.constant 0 : index
    %swap3A_18 = arith.constant 0 : index
    %swap3A_19 = vector.load %arg4[%swap3A, %swap3A_16, %swap3A_17, %swap3A_18] : memref<1x64x64x512xf32, #tpu.memory_space<vmem>>, vector<1x64x64x256xf32>
    %swap3A_20 = vector.shape_cast %swap3A_19 : vector<1x64x64x256xf32> to vector<64x64x256xf32>
    %swap3A_21 = vector.shape_cast %add3A : vector<64x64x256xf32> to vector<1x64x64x256xf32>
    tpu.vector_store %arg4[%swap3A, %swap3A_16, %swap3A_17, %swap3A_18], %swap3A_21 {strides = array<i32>} : memref<1x64x64x512xf32, #tpu.memory_space<vmem>>, vector<1x64x64x256xf32>,
    %get3A_22 = arith.constant 0 : index
    %get3A_23 = arith.constant 0 : index
    %get3A_24 = arith.constant 0 : index
    %get3A_25 = arith.constant 256 : index
    %get3A_26 = vector.load %arg1[%get3A_22, %get3A_23, %get3A_24, %get3A_25] : memref<1x64x64x512xf32, #tpu.memory_space<vmem>>, vector<1x64x64x256xf32>
    %get3A_27 = vector.shape_cast %get3A_26 : vector<1x64x64x256xf32> to vector<64x64x256xf32>
    %add3A_28 = arith.addf %get3A_27, %broadcast_in_dim3A_9 : vector<64x64x256xf32>
    %swap3A_29 = arith.constant 0 : index
    %swap3A_30 = arith.constant 0 : index
    %swap3A_31 = arith.constant 0 : index
    %swap3A_32 = arith.constant 256 : index
    %swap3A_33 = vector.load %arg4[%swap3A_29, %swap3A_30, %swap3A_31, %swap3A_32] : memref<1x64x64x512xf32, #tpu.memory_space<vmem>>, vector<1x64x64x256xf32>
    %swap3A_34 = vector.shape_cast %swap3A_33 : vector<1x64x64x256xf32> to vector<64x64x256xf32>
    %swap3A_35 = vector.shape_cast %add3A_28 : vector<64x64x256xf32> to vector<1x64x64x256xf32>
    tpu.vector_store %arg4[%swap3A_29, %swap3A_30, %swap3A_31, %swap3A_32], %swap3A_35 {strides = array<i32>} : memref<1x64x64x512xf32, #tpu.memory_space<vmem>>, vector<1x64x64x256xf32>,
    return
  }
  func.func @transform_0(%arg0: i32) -> (i32, i32, i32, i32) {
    %c0_i32 = arith.constant 0 : i32
    %c0_i32_0 = arith.constant 0 : i32
    %c0_i32_1 = arith.constant 0 : i32
    %c0_i32_2 = arith.constant 0 : i32
    return %arg0, %c0_i32, %c0_i32_0, %c0_i32_1 : i32, i32, i32, i32
  }
  func.func @transform_1(%arg0: i32) -> (i32, i32) {
    %c0_i32 = arith.constant 0 : i32
    %c0_i32_0 = arith.constant 0 : i32
    %c0_i32_1 = arith.constant 0 : i32
    return %c0_i32, %c0_i32_0 : i32, i32
  }
  func.func @transform_2(%arg0: i32) -> (i32, i32) {
    %c0_i32 = arith.constant 0 : i32
    %c0_i32_0 = arith.constant 0 : i32
    %c0_i32_1 = arith.constant 0 : i32
    return %c0_i32, %c0_i32_0 : i32, i32
  }
  func.func @transform_3(%arg0: i32) -> (i32, i32, i32, i32) {
    %c0_i32 = arith.constant 0 : i32
    %c0_i32_0 = arith.constant 0 : i32
    %c0_i32_1 = arith.constant 0 : i32
    %c0_i32_2 = arith.constant 0 : i32
    return %arg0, %c0_i32, %c0_i32_0, %c0_i32_1 : i32, i32, i32, i32
  }
}

module attributes {stable_mosaic.version = 14 : i64} {
  func.func @_build_pos_kernel(%arg0: memref<64x256xf32, #tpu.memory_space<vmem>>, %arg1: memref<64x256xf32, #tpu.memory_space<vmem>>, %arg2: memref<64x64x512xf32, #tpu.memory_space<vmem>>) attributes {dimension_semantics = [], scalar_prefetch = 0 : i64, scratch_operands = 0 : i64, tpu.core_type = #tpu.core_type<tc>} {
    %get3A = arith.constant 0 : index
    %get3A_0 = arith.constant 0 : index
    %get3A_1 = vector.load %arg1[%get3A, %get3A_0] : memref<64x256xf32, #tpu.memory_space<vmem>>, vector<64x256xf32>
    %broadcast_in_dim3A = vector.shape_cast %get3A_1 : vector<64x256xf32> to vector<1x64x256xf32>
    %broadcast_in_dim3A_2 = vector.shape_cast %broadcast_in_dim3A : vector<1x64x256xf32> to vector<1x64x256xf32>
    %broadcast_in_dim3A_3 = vector.broadcast %broadcast_in_dim3A_2 : vector<1x64x256xf32> to vector<64x64x256xf32>
    %swap3A = arith.constant 0 : index
    %swap3A_4 = arith.constant 0 : index
    %swap3A_5 = arith.constant 0 : index
    %swap3A_6 = vector.load %arg2[%swap3A, %swap3A_4, %swap3A_5] : memref<64x64x512xf32, #tpu.memory_space<vmem>>, vector<64x64x256xf32>
    tpu.vector_store %arg2[%swap3A, %swap3A_4, %swap3A_5], %broadcast_in_dim3A_3 {strides = array<i32>} : memref<64x64x512xf32, #tpu.memory_space<vmem>>, vector<64x64x256xf32>,
    %get3A_7 = arith.constant 0 : index
    %get3A_8 = arith.constant 0 : index
    %get3A_9 = vector.load %arg0[%get3A_7, %get3A_8] : memref<64x256xf32, #tpu.memory_space<vmem>>, vector<64x256xf32>
    %broadcast_in_dim3A_10 = vector.shape_cast %get3A_9 : vector<64x256xf32> to vector<64x1x256xf32>
    %broadcast_in_dim3A_11 = vector.shape_cast %broadcast_in_dim3A_10 : vector<64x1x256xf32> to vector<64x1x256xf32>
    %broadcast_in_dim3A_12 = vector.broadcast %broadcast_in_dim3A_11 : vector<64x1x256xf32> to vector<64x64x256xf32>
    %swap3A_13 = arith.constant 0 : index
    %swap3A_14 = arith.constant 0 : index
    %swap3A_15 = arith.constant 256 : index
    %swap3A_16 = vector.load %arg2[%swap3A_13, %swap3A_14, %swap3A_15] : memref<64x64x512xf32, #tpu.memory_space<vmem>>, vector<64x64x256xf32>
    tpu.vector_store %arg2[%swap3A_13, %swap3A_14, %swap3A_15], %broadcast_in_dim3A_12 {strides = array<i32>} : memref<64x64x512xf32, #tpu.memory_space<vmem>>, vector<64x64x256xf32>,
    return
  }
}

</mosaic_0001>

<sc_bundles>
// kernel: kernel.5.cloned.1.call-start
scs
__scs_entry_jumppad:
0x0: {  	(pc) =	sbr.rel $0x88, $3  }
0x1: {  	(tag) =	ssettag $0x0;
	lr =	simm.s32 $0x1  }
0x2: {  	[smem:$0x3F9E] =	sst lr;
	_ =	strace $0xD0000000  }
0x3: {  	_ = 	snop  }
0x4: {  	_ = 	snop  }
0x5: {  	_ = 	snop  }
0x6: {  	_ = 	snop  }
0x7: {  	_ = 	snop  }
__scs_overlays_trampoline_lowered:
0x8: {  	[smem:$0x3FAD] =	sst s0  }
0x9: {  	[smem:$0x3FAE] =	sst s1  }
0xa: {  	[smem:$0x3FAF] =	sst s2  }
0xb: {  	[smem:$0x3FB0] =	sst s3  }
0xc: {  	[smem:$0x3FB1] =	sst s4  }
0xd: {  	[smem:$0x3FB2] =	sst s5  }
0xe: {  	[smem:$0x3FB3] =	sst s6  }
0xf: {  	[smem:$0x3FB4] =	sst s7  }
0x10: {  	[smem:$0x3FB5] =	sst s8  }
0x11: {  	[smem:$0x3FB6] =	sst s9;
	s0 =	simm.s32 @!p0 $0x0  }
0x12: {  	s1 =	sld [smem:$0x3F9C];
	s0 =	simm.s32 @p0 $0x1  }
0x13: {  	[smem:$0x3FB7] =	sst s0;
	s0 =	simm.s32 @!p1 $0x0  }
0x14: {  	s2 =	sld [smem:$0x3F9B];
	s0 =	simm.s32 @p1 $0x1  }
0x15: {  	[smem:$0x3FB8] =	sst s0;
	s0 =	simm.s32 @!p2 $0x0  }
0x16: {  	s3 =	sld [smem:$0x3FDB];
	s0 =	simm.s32 @p2 $0x1  }
0x17: {  	s4 =	simm.s32 $0x1BF5;
	[smem:$0x3FBA] =	sst s0  }
0x18: {  	s0 =	sld [smem:$0x3F9D];
	_ =	swait.ge [sflag:s4], $0x0  }
0x19: {  	s7 =	sld [smem:$0x3F9E]  }
0x1a: {  	s8 =	sadd.s32 $0xFFFFE003, lr  }
0x1b: {  	s9 =	sadd.s32 $0xFFFFFEF7, lr;
	s5 =	simm.s32 $0xFFFFFFFF;
	p2 =	slt.u32 s8, $0xFFFFF086  }
0x1c: {  	p1 =	slt.u32 s9, $0xF7A;
	s5 =	simm.s32 @!p2 $0x0  }
0x1d: {  	s5 =	simm.s32 @p1 $0x1;
	p0 =	seq.s32 s7, s2  }
0x1e: {  	s7 =	smul.u32 @!p0 $0xF7A, s2;
	p2 =	seq.s32 @!p0 s5, $0x0  }
0x1f: {  	s9 =	smul.u32 $0xF7A, s1;
	s8 =	simm.s32 @!p0 $0x1BF5;
	p2 =	por !p2, p0  }
0x20: {  	[sflag:s8] =	ssyncset.s32 @!p0 $0xFFFFF086;
	s6 =	sadd.s32 @!p0 s3, s7;
	s7 =	simm.s32 @!p0 $0x108  }
0x21: {  	s3 =	sadd.s32 s3, s9;
	s6 =	sadd.s32 @!p0 $0x88, s6;
	s7 =	simm.s32 @p2 $0x1082  }
0x22: {  	[simem:s7], [sflag:s8] =	dma.local @!p0 [hbm:s6], $0xF7A  }
0x23: {  	s9 =	sor.u32 $0xD0000000, s2;
	s6 =	simm.s32 $0x108;
	_ =	swait.ge @!p0 [sflag:s8], $0x0  }
0x24: {  	s3 =	sadd.s32 $0x88, s3;
	s6 =	simm.s32 @!p1 $0x1082;
	[sflag:s4] =	ssyncset.s32 $0xFFFFF086  }
0x25: {  	[simem:s6], [sflag:s4] =	dma.local [hbm:s3], $0xF7A  }
0x26: {  	[smem:$0x3F9E] =	sst s1;
	(tag) =	ssettag s2;
	_ =	strace s9  }
0x27: {  	s1 =	sld [smem:$0x3FAE]  }
0x28: {  	s2 =	sld [smem:$0x3FAF]  }
0x29: {  	s4 =	sld [smem:$0x3FB1]  }
0x2a: {  	p0 =	seq.s32 s5, $0x0;
	s5 =	sld [smem:$0x3FB2]  }
0x2b: {  	s6 =	sld [smem:$0x3FB3]  }
0x2c: {  	s7 =	sld [smem:$0x3FB4]  }
0x2d: {  	s3 =	simm.s32 $0x108;
	s8 =	sld [smem:$0x3FB5]  }
0x2e: {  	s3 =	simm.s32 @!p0 $0x1082;
	s9 =	sld [smem:$0x3FB6]  }
0x2f: {  	lr =	sadd.s32 s0, s3;
	s0 =	sld [smem:$0x3FAD]  }
0x30: {  	s3 =	sld [smem:$0x3FB0]  }
0x31: {  	[smem:$0x3FB9] =	sst s10  }
0x32: {  	s10 =	sld [smem:$0x3FB7];
	_ =	sdelay $0x3  }
0x33: {  	p0 =	seq.s32 s10, $0x1;
	s10 =	sld [smem:$0x3FB9];
	_ =	sdelay $0x3  }
0x34: {  	[smem:$0x3FB9] =	sst s10  }
0x35: {  	s10 =	sld [smem:$0x3FB8];
	_ =	sdelay $0x3  }
0x36: {  	p1 =	seq.s32 s10, $0x1;
	s10 =	sld [smem:$0x3FB9];
	_ =	sdelay $0x3  }
0x37: {  	[smem:$0x3FB9] =	sst s10  }
0x38: {  	s10 =	sld [smem:$0x3FBA]  }
0x39: {  	_ = 	snop;
	(pc) =	sbr.ind lr, $3  }
0x3a: {  	_ = 	snop  }
0x3b: {  	_ = 	snop  }
0x3c: {  	p2 =	seq.s32 s10, $0x1;
	s10 =	sld [smem:$0x3FB9]  }
0x3d: {  	_ =	shalt  }
0x3e: {  	_ =	shalt  }
0x3f: {  	_ =	shalt  }
0x40: {  	_ =	shalt  }
0x41: {  	_ =	shalt  }
0x42: {  	_ =	shalt  }
0x43: {  	_ =	shalt  }
0x44: {  	_ =	shalt  }
0x45: {  	_ =	shalt  }
0x46: {  	_ =	shalt  }
0x47: {  	_ =	shalt  }
0x48: {  	_ =	shalt  }
0x49: {  	_ =	shalt  }
0x4a: {  	_ =	shalt  }
0x4b: {  	_ =	shalt  }
0x4c: {  	_ =	shalt  }
0x4d: {  	_ =	shalt  }
0x4e: {  	_ =	shalt  }
0x4f: {  	_ =	shalt  }
0x50: {  	_ =	shalt  }
0x51: {  	_ =	shalt  }
0x52: {  	_ =	shalt  }
0x53: {  	_ =	shalt  }
0x54: {  	_ =	shalt  }
0x55: {  	_ =	shalt  }
0x56: {  	_ =	shalt  }
0x57: {  	_ =	shalt  }
0x58: {  	_ =	shalt  }
0x59: {  	_ =	shalt  }
0x5a: {  	_ =	shalt  }
0x5b: {  	_ =	shalt  }
0x5c: {  	_ =	shalt  }
0x5d: {  	_ =	shalt  }
0x5e: {  	_ =	shalt  }
0x5f: {  	_ =	shalt  }
0x60: {  	_ =	shalt  }
0x61: {  	_ =	shalt  }
0x62: {  	_ =	shalt  }
0x63: {  	_ =	shalt  }
0x64: {  	_ =	shalt  }
0x65: {  	_ =	shalt  }
0x66: {  	_ =	shalt  }
0x67: {  	_ =	shalt  }
0x68: {  	_ =	shalt  }
0x69: {  	_ =	shalt  }
0x6a: {  	_ =	shalt  }
0x6b: {  	_ =	shalt  }
0x6c: {  	_ =	shalt  }
0x6d: {  	_ =	shalt  }
0x6e: {  	_ =	shalt  }
0x6f: {  	_ =	shalt  }
0x70: {  	_ =	shalt  }
0x71: {  	_ =	shalt  }
0x72: {  	_ =	shalt  }
0x73: {  	_ =	shalt  }
0x74: {  	_ =	shalt  }
0x75: {  	_ =	shalt  }
0x76: {  	_ =	shalt  }
0x77: {  	_ =	shalt  }
0x78: {  	_ =	shalt  }
0x79: {  	_ =	shalt  }
0x7a: {  	_ =	shalt  }
0x7b: {  	_ =	shalt  }
0x7c: {  	_ =	shalt  }
0x7d: {  	_ =	shalt  }
0x7e: {  	_ =	shalt  }
0x7f: {  	_ =	shalt  }
0x80: {  	_ =	shalt  }
0x81: {  	_ =	shalt  }
0x82: {  	_ =	shalt  }
0x83: {  	_ =	shalt  }
0x84: {  	_ =	shalt  }
0x85: {  	_ =	shalt  }
0x86: {  	_ =	shalt  }
0x87: {  	_ =	shalt  }
.Lfunc_end0:
.L_simem_size_0:
called_computation_lowered:
.L_overlay_start_0:
0x88: {  	s2 =	sld [smem:$0x3FD9]  }
0x89: {  	s3 =	sld [smem:$0x3FFE];
	_ =	sdelay $0x1  }
0x8a: {  	s1 =	srdreg.scid  }
0x8b: {  	s0 =	sand.u32 $0x1, s1  }
0x8c: {  	s17 =	sshll.u32 s0, $0xA;
	s2 =	sadd.s32 s3, s2  }
0x8d: {  	s2 =	sadd.s32 s2, s17  }
0x8e: {  	[smem:$0x3FC5] =	sst s2  }
0x8f: {  	_ = 	snop  }
0x90: {  	s2 =	sld [smem:$0x3FC9]  }
0x91: {  	s18 =	sld [smem:$0x3FD0];
	(tm) =	ssettm $0x1  }
0x92: {  	s4 =	sld [smem:$0x3FFB];
	_ =	sdelay $0x3  }
0x93: {  	_ =	strace s4  }
0x94: {  	s4 =	sld [smem:$0x3FFC];
	_ =	sdelay $0x3  }
0x95: {  	_ =	strace s4  }
0x96: {  	s4 =	sld [smem:$0x3FFD];
	_ =	sdelay $0x3  }
0x97: {  	_ =	strace s4  }
0x98: {  	_ =	strace $0x8FFFFFFF  }
0x99: {  	s19 =	sld [smem:$0x3FDB];
	_ =	sdelay $0x1  }
0x9a: {  	s5 =	simm.s32 $_scs_section_size  }
0x9b: {  	s6 =	simm.s32 $_size__tile_overlayer_lowered;
	s7 =	simm.s32 $_tile_overlayer_lowered  }
0x9c: {  	s22 =	simm.s32 $0x1BFF;
	s21 =	sshll.u32 s7, $0x1;
	s4 =	sadd.s32 s5, s19  }
0x9d: {  	s8 =	simm.s32 $0x0;
	s20 =	sshll.u32 s6, $0x1;
	s6 =	sadd.s32 s21, s4  }
0x9e: {  	[timem:s8], [sflag:s22] =	dma.local [hbm:s6], s20  }
0x9f: {  	_ =	swait.ge [sflag:s22], s20  }
0xa0: {  	s5 =	ssub.s32 $0x0, s20;
	[sflag:s22] =	ssyncset.done $0x0  }
0xa1: {  	[sflag:s22] =	ssyncadd.s32 s5;
	_ =	sdelay $0x1  }
0xa2: {  	s23 =	simm.s32 $0x1B8B  }
0xa3: {  	_ =	swait.ge [sflag:s23], $0x1  }
0xa4: {  	[sflag:s23] =	ssyncset.done $0x0  }
0xa5: {  	s25 =	simm.s32 $0x1B8E;
	s24 =	sld [smem:$0x3FFE];
	[sflag:s23] =	ssyncadd.s32 $0xFFFFFFFF  }
0xa6: {  	s26 =	simm.s32 $execute0_lowered;
	[smem:$0x3FD2] =	sst s25  }
0xa7: {  	s6 =	sshll.u32 s26, $0x1;
	_ =	strace $0x80000046;
	[dreg:$0x1] =	wrdreg $0xFFFFFFFF  }
0xa8: {  	s28 =	simm.s32 $_size_execute0_lowered;
	s4 =	sadd.s32 s4, s6;
	[dreg:$0x0] =	wrdreg $0x0  }
0xa9: {  	s6 =	sshll.u32 s28, $0x1;
	[dreg:$0x2] =	wrdreg s4  }
0xaa: {  	[dreg:$0x3] =	wrdreg s6  }
0xab: {  	[dreg:$0x4] =	wrdreg $0xC0  }
0xac: {  	_ =	task [dreg:s8], $0x5FFFF  }
0xad: {  	[dreg:$0x1] =	wrdreg $0xFFFFFFFF  }
0xae: {  	[dreg:$0x0] =	wrdreg $0x60  }
0xaf: {  	[dreg:$0x2] =	wrdreg s2  }
0xb0: {  	[dreg:$0x3] =	wrdreg s18  }
0xb1: {  	[dreg:$0x4] =	wrdreg s24  }
0xb2: {  	[dreg:$0x5] =	wrdreg $0x9  }
0xb3: {  	_ =	task.clear_ibuf [dreg:s8], $0x6FFFF;
	_ =	strace $0x90000046  }
0xb4: {  	s29 =	simm.s32 $0x9;
	_ =	strace $0x80000048  }
0xb5: {  	_ =	swait.ge [sflag:s29], $0x1  }
0xb6: {  	[sflag:s29] =	ssyncadd.s32 $0xFFFFFFFF  }
0xb7: {  	_ =	strace $0x90000048  }
0xb8: {  	_ =	sfence  }
0xb9: {  	s30 =	sld [smem:$0x0];
	_ =	sdelay $0x2  }
0xba: {  	s31 =	sshll.u32 s1, $0xD;
	s1 =	sshrl.u32 s1, $0x2  }
0xbb: {  	s3 =	sand.u32 $0x4000, s31;
	s1 =	sadd.s32 s1, s30  }
0xbc: {  	s0 =	sor.u32 s3, s0;
	s1 =	sshll.u32 s1, $0x11  }
0xbd: {  	s0 =	sor.u32 s1, s0  }
0xbe: {  	s0 =	sadd.s32 $0x8F2B, s0  }
0xbf: {  	[sflag:s0] =	ssyncadd.remote.s32 $0x1  }
0xc0: {  	_ =	sfence.sel $0xFFFF  }
0xc1: {  	[dreg:$0x0] =	wrdreg $0xFFFFFFFF;
	(pc) =	sbr.abs _section_cstart, $3  }
0xc2: {  	[dreg:$0x1] =	wrdreg $0xFFFFFFFF  }
0xc3: {  	_ =	task.clear_ibuf [dreg:s8], $0x2FFFF;
	_ =	strace $0x9FFFFFFF  }
0xc4: {  	(tm) =	ssettm $0x7FFFFFFF  }
0xc5: {  	_ =	shalt  }
tec
execute0_lowered:
.L_overlay_start_1:
0x0: {  	(tag) =	ssettag $0x1  }
0x1: {  	s1 =	rddreg [dreg:$0x0]  }
0x2: {  	s6 =	rddreg [dreg:$0x1]  }
0x3: {  	s8 =	rddreg [dreg:$0x2]  }
0x4: {  	s0 =	rddreg [dreg:$0x3];
	s3 =	simm.s32 $0x0;
	s4 =	srdreg.scid  }
0x5: {  	s2 =	stileid.u32;
	s10 =	simm.s32 $0x1;
	s11 =	simm.s32 $0x10000  }
0x6: {  	s12 =	simm.s32 $0x0;
	[smem:$0x7FF] =	sst s3;
	s4 =	sand.u32 $0x1, s4  }
0x7: {  	s5 =	sshll.u32 s2, $0xE;
	s7 =	ssub.s32 $0x2, s4;
	s4 =	sshll.u32 s4, $0xD  }
0x8: {  	_ =	strace $0x80000047;
	s9 =	sshrl.u32 s7, $0x1;
	s4 =	sor.u32 s4, s5  }
0x9: {  	s5 =	sadd.s32 $0xE00, s8;
	s8 =	sadd.s32 $0x1E00, s8;
	s9 =	ssub.s32 s7, s9  }
0xa: {  	s6 =	sadd.s32 s6, s4;
	s7 =	sadd.s32 $0x1000, s1;
	s9 =	smax.u32 s9, $0x1  }
.LBB2_1:
0xb: {  	[tilespmem:s3], [sflag:$0x1] =	stream.linear.gather [hbm4b:s6+s3], $0x10000, $0x38;
	[tilespmem:$0x18000] =	vst v63  }
0xc: {  	_ =	swait.ge [sflag:s10], $0x10000  }
0xd: {  	[sflag:s10] =	ssyncset.done $0x0  }
0xe: {  	s13 =	simm.s32 $0x0;
	[sflag:s10] =	ssyncadd.s32 $0xFFFF0000  }
.LBB2_2:
0xf: {  	s14 =	sshll.u32 s13, $0x12  }
0x10: {  	s14 =	sor.u32 s4, s14  }
0x11: {  	s15 =	sadd.s32 $0x600000, s14  }
0x12: {  	s17 =	simm.s32 $0x0;
	s18 =	simm.s32 $0x0;
	s16 =	sadd.s32 s1, s15  }
0x13: {  	[tilespmem:s11], [sflag:$0x1] =	stream.linear.gather [hbm4b:s16+s17], $0x8000, $0x38;
	[tilespmem:$0x18000] =	vst v63  }
0x14: {  	s19 =	simm.s32 $0x0;
	s29 =	sand.u32 $0x70, s17;
	s17 =	sand.u32 $0xC00, s17  }
0x15: {  	s18 =	sand.u32 $0x7000, s18;
	_ =	swait.ge [sflag:s10], $0x8000;
	s16 =	sor.u32 s17, s29  }
0x16: {  	s30 =	sand.u32 $0x380, s19;
	[sflag:s10] =	ssyncset.done $0x0;
	s16 =	sor.u32 s18, s16  }
0x17: {  	[sflag:s10] =	ssyncadd.s32 $0xFFFF8000;
	s16 =	sor.u32 s30, s16  }
0x18: {  	v0 =	vld [tilespmem:s16+$0x0]  }
0x19: {  	v1 =	vld [tilespmem:s16+$0x10000];
	_ =	sdelay $0x1  }
0x1a: {  	s20 =	simm.s32 $0x4;
	s17 =	simm.s32 $0x80;
	s18 =	simm.s32 $0x10  }
0x1b: {  	s21 =	simm.s32 $0x10;
	s22 =	sand.u32 $0xC00, s17;
	s31 =	sand.u32 $0x70, s18  }
0x1c: {  	s21 =	sand.u32 $0x7000, s21;
	s19 =	simm.s32 $0x2;
	s22 =	sor.u32 s22, s31  }
.LBB2_3:
0x1d: {  	p0 =	sne.s32 s19, $0x7FF;
	s20 =	sand.u32 $0x380, s20;
	s21 =	sor.u32 s21, s22;
	v1 =	vadd.f32 v0, v1  }
0x1e: {  	s20 =	sor.u32 s20, s21  }
0x1f: {  	v0 =	vld [tilespmem:s20+$0x0];
	[tilespmem:s16+$0x10000] =	vst v1;
	s16 =	smov.u32 s20  }
.Ltmp0:
0x20: {  	v1 =	vld [tilespmem:s16+$0x10000];
	(pc) =	sbr.rel @p0 .LBB2_3-.Ltmp0, $4  }
0x21: {  	_ = 	snop  }
0x22: {  	s17 =	sadd.s32 $0x80, s17;
	s18 =	sadd.s32 $0x10, s18;
	s20 =	sshll.u32 s19, $0x2  }
0x23: {  	s22 =	sand.u32 $0x70, s18;
	s21 =	sshll.u32 s19, $0x4;
	s23 =	sand.u32 $0xC00, s17  }
0x24: {  	s21 =	sand.u32 $0x7000, s21;
	s22 =	sor.u32 s23, s22;
	s19 =	sadd.s32 $0x1, s19  }
0x25: {  	s17 =	sand.u32 $0x380, s20;
	s18 =	sor.u32 s21, s22;
	v0 =	vadd.f32 v0, v1  }
0x26: {  	s17 =	sor.u32 s17, s18  }
0x27: {  	v1 =	vld [tilespmem:s17+$0x0];
	[tilespmem:s16+$0x10000] =	vst v0  }
0x28: {  	v0 =	vld [tilespmem:s17+$0x10000];
	_ =	sdelay $0x4  }
0x29: {  	v0 =	vadd.f32 v1, v0;
	_ =	sdelay $0x1  }
0x2a: {  	s23 =	sadd.s32 s5, s14;
	s24 =	simm.s32 $0x0;
	[tilespmem:s17+$0x10000] =	vst v0  }
0x2b: {  	[hbm4b:s23+s24] =	stream.linear.scatter [tilespmem:s11], [sflag:$0x1], $0x8000, $0x38;
	[tilespmem:$0x18000] =	vst v63  }
0x2c: {  	_ =	swait.ge [sflag:s10], $0x8000  }
0x2d: {  	s15 =	sadd.s32 s15, s7;
	[sflag:s10] =	ssyncset.done $0x0  }
0x2e: {  	s25 =	simm.s32 $0x0;
	s26 =	simm.s32 $0x0;
	[sflag:s10] =	ssyncadd.s32 $0xFFFF8000  }
0x2f: {  	[tilespmem:s11], [sflag:$0x1] =	stream.linear.gather [hbm4b:s15+s24], $0x8000, $0x38;
	[tilespmem:$0x18000] =	vst v63  }
0x30: {  	s16 =	sand.u32 $0x380, s26;
	s15 =	sand.u32 $0x7000, s25  }
0x31: {  	s28 =	sand.u32 $0xC00, s24;
	_ =	swait.ge [sflag:s10], $0x8000;
	s15 =	sor.u32 s16, s15  }
0x32: {  	s29 =	sand.u32 $0x70, s24;
	[sflag:s10] =	ssyncset.done $0x0;
	s15 =	sor.u32 s28, s15  }
0x33: {  	[sflag:s10] =	ssyncadd.s32 $0xFFFF8000;
	s15 =	sor.u32 s29, s15  }
0x34: {  	v0 =	vld [tilespmem:s15+$0x8000]  }
0x35: {  	v1 =	vld [tilespmem:s15+$0x10000]  }
0x36: {  	s30 =	simm.s32 $0x10;
	s31 =	simm.s32 $0x4  }
0x37: {  	s19 =	sand.u32 $0x7000, s30;
	s20 =	sand.u32 $0x380, s31  }
0x38: {  	s18 =	simm.s32 $0x2;
	s17 =	simm.s32 $0x10;
	s16 =	simm.s32 $0x80  }
.LBB2_5:
0x39: {  	p0 =	sne.s32 s18, $0x7FF;
	s21 =	sand.u32 $0xC00, s16;
	s19 =	sor.u32 s20, s19  }
0x3a: {  	s20 =	sand.u32 $0x70, s17;
	s19 =	sor.u32 s21, s19;
	v1 =	vadd.f32 v0, v1  }
0x3b: {  	s19 =	sor.u32 s20, s19  }
.Ltmp1:
0x3c: {  	v0 =	vld [tilespmem:s19+$0x8000];
	[tilespmem:s15+$0x10000] =	vst v1;
	s15 =	smov.u32 s19;
	(pc) =	sbr.rel @p0 .LBB2_5-.Ltmp1, $4  }
0x3d: {  	v1 =	vld [tilespmem:s15+$0x10000]  }
0x3e: {  	s16 =	sadd.s32 $0x80, s16  }
0x3f: {  	s17 =	sadd.s32 $0x10, s17;
	s20 =	sshll.u32 s18, $0x2;
	s19 =	sshll.u32 s18, $0x4  }
0x40: {  	s20 =	sand.u32 $0x380, s20;
	s18 =	sadd.s32 $0x1, s18;
	s19 =	sand.u32 $0x7000, s19  }
0x41: {  	s16 =	sand.u32 $0xC00, s16;
	s18 =	sor.u32 s20, s19  }
0x42: {  	s17 =	sand.u32 $0x70, s17;
	s16 =	sor.u32 s16, s18;
	v0 =	vadd.f32 v0, v1  }
0x43: {  	s16 =	sor.u32 s17, s16  }
0x44: {  	v63 =	vld [tilespmem:s16+$0x8000];
	[tilespmem:s15+$0x10000] =	vst v0  }
0x45: {  	v0 =	vld [tilespmem:s16+$0x10000];
	_ =	sdelay $0x4  }
0x46: {  	s13 =	sadd.s32 $0x1, s13;
	v0 =	vadd.f32 v63, v0  }
0x47: {  	p0 =	sne.s32 s13, $0x8  }
.Ltmp2:
0x48: {  	s14 =	sadd.s32 s14, s8;
	[tilespmem:s16+$0x10000] =	vst v0;
	(pc) =	sbr.rel @p0 .LBB2_2-.Ltmp2, $4  }
0x49: {  	[hbm4b:s14+s3] =	stream.linear.scatter [tilespmem:s11], [sflag:$0x1], $0x8000, $0x38;
	[tilespmem:$0x18000] =	vst v63  }
0x4a: {  	_ =	swait.ge [sflag:s10], $0x8000  }
0x4b: {  	[sflag:s10] =	ssyncset.done $0x0  }
0x4c: {  	[sflag:s10] =	ssyncadd.s32 $0xFFFF8000  }
0x4d: {  	s12 =	sadd.s32 $0x1, s12  }
0x4e: {  	p0 =	sne.s32 s12, s9  }
.Ltmp3:
0x4f: {  	_ = 	snop;
	(pc) =	sbr.rel @p0 .LBB2_1-.Ltmp3, $1  }
0x50: {  	_ =	sdelay $0x3  }
0x51: {  	_ =	sfence.sel $0x180000  }
0x52: {  	[bflag:$0x0] =	sbarrier.arrive $0xFFFF  }
0x53: {  	p0 =	sne.s32 s2, $0x0;
	_ =	strace $0x90000047  }
0x54: {  	s0 =	sadd.s32 @!p0 $0x100000, s0;
	[bflag:$0x2] =	sbarrier.arrive $0xFFFF  }
0x55: {  	[sflag:s0] =	ssyncadd.tile.s32 @!p0 $0x1;
	_ =	shalt  }
.Lfunc_end2:
_tile_overlayer_lowered:
.L_overlay_start_2:
0x56: {  	(tag) =	ssettag $0x2  }
0x57: {  	s0 =	rddreg [dreg:$0x0];
	s2 =	stileid.u32  }
0x58: {  	s1 =	rddreg [dreg:$0x1];
	p0 =	sne.s32 s2, $0x0  }
0x59: {  	s3 =	rddreg [dreg:$0x2];
	[bflag:$0x3] =	sbarrier.arrive $0xFFFF;
	s2 =	simm.s32 @!p0 $0x1C01  }
0x5a: {  	[timem:s3], [sflag:s2] =	dma.local @!p0 [hbm:s0], s1  }
0x5b: {  	s0 =	simm.s32 @!p0 $0x1  }
0x5c: {  	_ =	swait.ge @!p0 [sflag:s0], s1  }
0x5d: {  	s1 =	ssub.s32 @!p0 $0x0, s1;
	[sflag:s0] =	ssyncset.done @!p0 $0x0  }
0x5e: {  	[sflag:s0] =	ssyncadd.s32 @!p0 s1  }
0x5f: {  	[bflag:$0x3] =	sbarrier.arrive $0xFFFF  }
0x60: {  	_ =	shalt  }

</sc_bundles>
